<compile_context>
chip_gen: v7x
topology: tpu7x:2x2x1
jax: 0.10.2.dev20260603
libtpu: 0.0.44.dev20260713+nightly
codegen_flags: <defaults>
</compile_context>

<pallas_src>
import functools

import jax
import jax.numpy as jnp
from jax import lax
from jax.experimental import pallas as pl
from jax.experimental.pallas import tpu as pltpu
from jax.experimental.pallas import tpu_sc as plsc

_B, _L = 64, 4096
_N = _B * _L
_NC, _NS, _LANES = 2, 16, 16
_NW = _NC * _NS
_CHUNK = _N // _NW
_NHALF = _CHUNK // 2

_mesh = plsc.VectorSubcoreMesh(core_axis_name="c", subcore_axis_name="s")


@functools.partial(
    pl.kernel,
    mesh=_mesh,
    out_type=jax.ShapeDtypeStruct((_N,), jnp.int32),
    scratch_types=[
        pltpu.VMEM((_CHUNK,), jnp.int32),
        pltpu.VMEM((_CHUNK,), jnp.int32),
        pltpu.VMEM((_CHUNK,), jnp.int32),
        pltpu.VMEM((_CHUNK,), jnp.int32),
        pltpu.SemaphoreType.DMA,
        pltpu.SemaphoreType.DMA,
        pltpu.SemaphoreType.DMA,
    ],
)
def _vote_sc(a_hbm, b_hbm, c_hbm, out_hbm, av, bv, cv, ov,
             sem_in0, sem_in1, sem_out):
    wid = lax.axis_index("s") * _NC + lax.axis_index("c")
    base = wid * _CHUNK

    in_sems = (sem_in0, sem_in1)
    in_copies = []
    for h in range(2):
        hbm_sl = pl.ds(base + h * _NHALF, _NHALF)
        vmem_sl = pl.ds(h * _NHALF, _NHALF)
        in_copies.append([
            pltpu.async_copy(a_hbm.at[hbm_sl], av.at[vmem_sl], in_sems[h]),
            pltpu.async_copy(b_hbm.at[hbm_sl], bv.at[vmem_sl], in_sems[h]),
            pltpu.async_copy(c_hbm.at[hbm_sl], cv.at[vmem_sl], in_sems[h]),
        ])

    out_copies = []
    for h in range(2):
        for cp in in_copies[h]:
            cp.wait()

        @plsc.parallel_loop(h * _NHALF, (h + 1) * _NHALF, _LANES, unroll=2)
        def _body(i):
            sl = pl.ds(i, _LANES)
            a = av[sl]
            b = bv[sl]
            c = cv[sl]
            m = jnp.minimum(jnp.minimum(a, b), c)
            r = jnp.where(b == c, b, m)
            r = jnp.where((a == b) | (a == c), a, r)
            ov[sl] = r

        hbm_sl = pl.ds(base + h * _NHALF, _NHALF)
        vmem_sl = pl.ds(h * _NHALF, _NHALF)
        out_copies.append(
            pltpu.async_copy(ov.at[vmem_sl], out_hbm.at[hbm_sl], sem_out))

    for cp in out_copies:
        cp.wait()


def kernel(sot1, sot2, sot3):
    out = _vote_sc(sot1.reshape(_N), sot2.reshape(_N), sot3.reshape(_N))
    return out.reshape(_B, _L)

# --- scband reference (transcript-rebuilt; emitter-appended) ---
"""Pipeline reference for scband-ensemble-module-19696720020229 (READ-ONLY COPY).

The authoritative reference and input builder live on the scoring server;
editing this copy changes nothing except your own understanding.
"""

import jax, jax.numpy as jnp
import numpy as np

B, L, C = 64, 4096, 100

def setup_inputs(seed: int = 0) -> dict:
    key = jax.random.key(seed)
    k1, k2, k3 = jax.random.split(key, 3)
    sot1 = jax.random.randint(k1, (B, L), 0, C)
    sot2 = jax.random.randint(k2, (B, L), 0, C)
    sot3 = jax.random.randint(k3, (B, L), 0, C)
    return {"sot1": sot1, "sot2": sot2, "sot3": sot3}

def reference(sot1, sot2, sot3):
    # Faithful translation of EnsembleModule.forward: stack the three models'
    # integer predictions and take per-position majority vote via
    # bincount + argmax (np.argmax of np.bincount picks the smallest class
    # index among ties, which jnp.argmax over counts reproduces exactly).
    sot = jnp.stack([sot1, sot2, sot3])  # [3, B, L]
    M = sot.shape[0]
    N = B * L
    flat = sot.reshape(M, N)
    rows = jnp.arange(N)
    counts = jnp.zeros((N, C), dtype=jnp.int32)
    for m in range(M):
        # scatter-add one vote per position (maps to SparseCore scatter-add)
        counts = counts.at[rows, flat[m]].add(1)
    pred = jnp.argmax(counts, axis=-1)  # first max index == np.bincount argmax tie-break
    total_pred = pred.reshape(B, L)
    return total_pred

if __name__ == "__main__":
    import jax
    _d = setup_inputs()
    print(jax.jit(kernel)(*tuple(_d.values())))

</pallas_src>

<mosaic_0001>
#map = affine_map<(d0, d1) -> (0)>
module attributes {stable_mosaic.version = 14 : i64} {
  func.func @_vote_sc(%arg0: i32, %arg1: i32, %arg2: memref<262144xi32, #tpu.memory_space<hbm>>, %arg3: memref<262144xi32, #tpu.memory_space<hbm>>, %arg4: memref<262144xi32, #tpu.memory_space<hbm>>, %arg5: memref<262144xi32, #tpu.memory_space<hbm>>, %arg6: memref<8192xi32, #tpu.memory_space<vmem>>, %arg7: memref<8192xi32, #tpu.memory_space<vmem>>, %arg8: memref<8192xi32, #tpu.memory_space<vmem>>, %arg9: memref<8192xi32, #tpu.memory_space<vmem>>, %arg10: memref<!tpu.dma_semaphore, #tpu.memory_space<semaphore_mem>>, %arg11: memref<!tpu.dma_semaphore, #tpu.memory_space<semaphore_mem>>, %arg12: memref<!tpu.dma_semaphore, #tpu.memory_space<semaphore_mem>>) attributes {dimension_semantics = [#tpu.dimension_semantics<core_parallel>, #tpu.dimension_semantics<subcore_parallel>], iteration_bounds = array<i64: 2, 16>, scalar_prefetch = 0 : i64, scratch_operands = 7 : i64, tpu.core_type = #tpu.core_type<sc_vector_subcore>, window_params = [{transform_indices = #map}, {transform_indices = #map}, {transform_indices = #map}, {transform_indices = #map}]} {
    %mul3A = arith.constant 2 : i32
    %mul3A_0 = arith.muli %arg1, %mul3A : i32
    %add3A = arith.addi %mul3A_0, %arg0 : i32
    %mul3A_1 = arith.constant 8192 : i32
    %mul3A_2 = arith.muli %add3A, %mul3A_1 : i32
    %add3A_3 = arith.constant 0 : i32
    %add3A_4 = arith.addi %mul3A_2, %add3A_3 : i32
    %dma_start3A = arith.constant 0 : i32
    %dma_start3A_5 = tpu.memref_slice %arg6[%dma_start3A] : memref<8192xi32, #tpu.memory_space<vmem>> -> memref<4096xi32, #tpu.memory_space<vmem>>
    %dma_start3A_6 = tpu.memref_slice %arg2[%add3A_4] : memref<262144xi32, #tpu.memory_space<hbm>> -> memref<4096xi32, #tpu.memory_space<hbm>>
    %dma_start3A_7 = arith.constant 0 : i32
    %dma_start3A_8 = tpu.memref_slice %arg6[%dma_start3A_7] : memref<8192xi32, #tpu.memory_space<vmem>> -> memref<4096xi32, #tpu.memory_space<vmem>>
    %dma_start3A_9 = tpu.memref_slice %arg2[%add3A_4] : memref<262144xi32, #tpu.memory_space<hbm>> -> memref<4096xi32, #tpu.memory_space<hbm>>
    tpu.enqueue_dma source(%dma_start3A_9 : memref<4096xi32, #tpu.memory_space<hbm>>) target(%dma_start3A_8 : memref<4096xi32, #tpu.memory_space<vmem>>) target_semaphore(%arg10 : memref<!tpu.dma_semaphore, #tpu.memory_space<semaphore_mem>>)
    %dma_start3A_10 = arith.constant 0 : i32
    %dma_start3A_11 = tpu.memref_slice %arg7[%dma_start3A_10] : memref<8192xi32, #tpu.memory_space<vmem>> -> memref<4096xi32, #tpu.memory_space<vmem>>
    %dma_start3A_12 = tpu.memref_slice %arg3[%add3A_4] : memref<262144xi32, #tpu.memory_space<hbm>> -> memref<4096xi32, #tpu.memory_space<hbm>>
    %dma_start3A_13 = arith.constant 0 : i32
    %dma_start3A_14 = tpu.memref_slice %arg7[%dma_start3A_13] : memref<8192xi32, #tpu.memory_space<vmem>> -> memref<4096xi32, #tpu.memory_space<vmem>>
    %dma_start3A_15 = tpu.memref_slice %arg3[%add3A_4] : memref<262144xi32, #tpu.memory_space<hbm>> -> memref<4096xi32, #tpu.memory_space<hbm>>
    tpu.enqueue_dma source(%dma_start3A_15 : memref<4096xi32, #tpu.memory_space<hbm>>) target(%dma_start3A_14 : memref<4096xi32, #tpu.memory_space<vmem>>) target_semaphore(%arg10 : memref<!tpu.dma_semaphore, #tpu.memory_space<semaphore_mem>>)
    %dma_start3A_16 = arith.constant 0 : i32
    %dma_start3A_17 = tpu.memref_slice %arg8[%dma_start3A_16] : memref<8192xi32, #tpu.memory_space<vmem>> -> memref<4096xi32, #tpu.memory_space<vmem>>
    %dma_start3A_18 = tpu.memref_slice %arg4[%add3A_4] : memref<262144xi32, #tpu.memory_space<hbm>> -> memref<4096xi32, #tpu.memory_space<hbm>>
    %dma_start3A_19 = arith.constant 0 : i32
    %dma_start3A_20 = tpu.memref_slice %arg8[%dma_start3A_19] : memref<8192xi32, #tpu.memory_space<vmem>> -> memref<4096xi32, #tpu.memory_space<vmem>>
    %dma_start3A_21 = tpu.memref_slice %arg4[%add3A_4] : memref<262144xi32, #tpu.memory_space<hbm>> -> memref<4096xi32, #tpu.memory_space<hbm>>
    tpu.enqueue_dma source(%dma_start3A_21 : memref<4096xi32, #tpu.memory_space<hbm>>) target(%dma_start3A_20 : memref<4096xi32, #tpu.memory_space<vmem>>) target_semaphore(%arg10 : memref<!tpu.dma_semaphore, #tpu.memory_space<semaphore_mem>>)
    %add3A_22 = arith.constant 4096 : i32
    %add3A_23 = arith.addi %mul3A_2, %add3A_22 : i32
    %dma_start3A_24 = arith.constant 4096 : i32
    %dma_start3A_25 = tpu.memref_slice %arg6[%dma_start3A_24] : memref<8192xi32, #tpu.memory_space<vmem>> -> memref<4096xi32, #tpu.memory_space<vmem>>
    %dma_start3A_26 = tpu.memref_slice %arg2[%add3A_23] : memref<262144xi32, #tpu.memory_space<hbm>> -> memref<4096xi32, #tpu.memory_space<hbm>>
    %dma_start3A_27 = arith.constant 4096 : i32
    %dma_start3A_28 = tpu.memref_slice %arg6[%dma_start3A_27] : memref<8192xi32, #tpu.memory_space<vmem>> -> memref<4096xi32, #tpu.memory_space<vmem>>
    %dma_start3A_29 = tpu.memref_slice %arg2[%add3A_23] : memref<262144xi32, #tpu.memory_space<hbm>> -> memref<4096xi32, #tpu.memory_space<hbm>>
    tpu.enqueue_dma source(%dma_start3A_29 : memref<4096xi32, #tpu.memory_space<hbm>>) target(%dma_start3A_28 : memref<4096xi32, #tpu.memory_space<vmem>>) target_semaphore(%arg11 : memref<!tpu.dma_semaphore, #tpu.memory_space<semaphore_mem>>)
    %dma_start3A_30 = arith.constant 4096 : i32
    %dma_start3A_31 = tpu.memref_slice %arg7[%dma_start3A_30] : memref<8192xi32, #tpu.memory_space<vmem>> -> memref<4096xi32, #tpu.memory_space<vmem>>
    %dma_start3A_32 = tpu.memref_slice %arg3[%add3A_23] : memref<262144xi32, #tpu.memory_space<hbm>> -> memref<4096xi32, #tpu.memory_space<hbm>>
    %dma_start3A_33 = arith.constant 4096 : i32
    %dma_start3A_34 = tpu.memref_slice %arg7[%dma_start3A_33] : memref<8192xi32, #tpu.memory_space<vmem>> -> memref<4096xi32, #tpu.memory_space<vmem>>
    %dma_start3A_35 = tpu.memref_slice %arg3[%add3A_23] : memref<262144xi32, #tpu.memory_space<hbm>> -> memref<4096xi32, #tpu.memory_space<hbm>>
    tpu.enqueue_dma source(%dma_start3A_35 : memref<4096xi32, #tpu.memory_space<hbm>>) target(%dma_start3A_34 : memref<4096xi32, #tpu.memory_space<vmem>>) target_semaphore(%arg11 : memref<!tpu.dma_semaphore, #tpu.memory_space<semaphore_mem>>)
    %dma_start3A_36 = arith.constant 4096 : i32
    %dma_start3A_37 = tpu.memref_slice %arg8[%dma_start3A_36] : memref<8192xi32, #tpu.memory_space<vmem>> -> memref<4096xi32, #tpu.memory_space<vmem>>
    %dma_start3A_38 = tpu.memref_slice %arg4[%add3A_23] : memref<262144xi32, #tpu.memory_space<hbm>> -> memref<4096xi32, #tpu.memory_space<hbm>>
    %dma_start3A_39 = arith.constant 4096 : i32
    %dma_start3A_40 = tpu.memref_slice %arg8[%dma_start3A_39] : memref<8192xi32, #tpu.memory_space<vmem>> -> memref<4096xi32, #tpu.memory_space<vmem>>
    %dma_start3A_41 = tpu.memref_slice %arg4[%add3A_23] : memref<262144xi32, #tpu.memory_space<hbm>> -> memref<4096xi32, #tpu.memory_space<hbm>>
    tpu.enqueue_dma source(%dma_start3A_41 : memref<4096xi32, #tpu.memory_space<hbm>>) target(%dma_start3A_40 : memref<4096xi32, #tpu.memory_space<vmem>>) target_semaphore(%arg11 : memref<!tpu.dma_semaphore, #tpu.memory_space<semaphore_mem>>)
    %dma_wait3A = arith.constant 0 : i32
    %dma_wait3A_42 = tpu.memref_slice %arg6[%dma_wait3A] : memref<8192xi32, #tpu.memory_space<vmem>> -> memref<4096xi32, #tpu.memory_space<vmem>>
    %dma_wait3A_43 = tpu.memref_slice %arg2[%add3A_4] : memref<262144xi32, #tpu.memory_space<hbm>> -> memref<4096xi32, #tpu.memory_space<hbm>>
    %dma_wait3A_44 = arith.constant 0 : i32
    %dma_wait3A_45 = tpu.memref_slice %arg6[%dma_wait3A_44] : memref<8192xi32, #tpu.memory_space<vmem>> -> memref<4096xi32, #tpu.memory_space<vmem>>
    %dma_wait3A_46 = tpu.memref_slice %arg2[%add3A_4] : memref<262144xi32, #tpu.memory_space<hbm>> -> memref<4096xi32, #tpu.memory_space<hbm>>
    tpu.wait_dma2 semaphore(%arg10 : memref<!tpu.dma_semaphore, #tpu.memory_space<semaphore_mem>>) src(%dma_wait3A_46 : memref<4096xi32, #tpu.memory_space<hbm>>) dst(%dma_wait3A_45 : memref<4096xi32, #tpu.memory_space<vmem>>)
    %dma_wait3A_47 = arith.constant 0 : i32
    %dma_wait3A_48 = tpu.memref_slice %arg7[%dma_wait3A_47] : memref<8192xi32, #tpu.memory_space<vmem>> -> memref<4096xi32, #tpu.memory_space<vmem>>
    %dma_wait3A_49 = tpu.memref_slice %arg3[%add3A_4] : memref<262144xi32, #tpu.memory_space<hbm>> -> memref<4096xi32, #tpu.memory_space<hbm>>
    %dma_wait3A_50 = arith.constant 0 : i32
    %dma_wait3A_51 = tpu.memref_slice %arg7[%dma_wait3A_50] : memref<8192xi32, #tpu.memory_space<vmem>> -> memref<4096xi32, #tpu.memory_space<vmem>>
    %dma_wait3A_52 = tpu.memref_slice %arg3[%add3A_4] : memref<262144xi32, #tpu.memory_space<hbm>> -> memref<4096xi32, #tpu.memory_space<hbm>>
    tpu.wait_dma2 semaphore(%arg10 : memref<!tpu.dma_semaphore, #tpu.memory_space<semaphore_mem>>) src(%dma_wait3A_52 : memref<4096xi32, #tpu.memory_space<hbm>>) dst(%dma_wait3A_51 : memref<4096xi32, #tpu.memory_space<vmem>>)
    %dma_wait3A_53 = arith.constant 0 : i32
    %dma_wait3A_54 = tpu.memref_slice %arg8[%dma_wait3A_53] : memref<8192xi32, #tpu.memory_space<vmem>> -> memref<4096xi32, #tpu.memory_space<vmem>>
    %dma_wait3A_55 = tpu.memref_slice %arg4[%add3A_4] : memref<262144xi32, #tpu.memory_space<hbm>> -> memref<4096xi32, #tpu.memory_space<hbm>>
    %dma_wait3A_56 = arith.constant 0 : i32
    %dma_wait3A_57 = tpu.memref_slice %arg8[%dma_wait3A_56] : memref<8192xi32, #tpu.memory_space<vmem>> -> memref<4096xi32, #tpu.memory_space<vmem>>
    %dma_wait3A_58 = tpu.memref_slice %arg4[%add3A_4] : memref<262144xi32, #tpu.memory_space<hbm>> -> memref<4096xi32, #tpu.memory_space<hbm>>
    tpu.wait_dma2 semaphore(%arg10 : memref<!tpu.dma_semaphore, #tpu.memory_space<semaphore_mem>>) src(%dma_wait3A_58 : memref<4096xi32, #tpu.memory_space<hbm>>) dst(%dma_wait3A_57 : memref<4096xi32, #tpu.memory_space<vmem>>)
    %parallel_loop3A = arith.constant 0 : i32
    %parallel_loop3A_59 = arith.constant 4096 : i32
    %parallel_loop3A_60 = arith.constant 16 : i32
    scf.for %parallel_loop3A_110 = %parallel_loop3A to %parallel_loop3A_59 step %parallel_loop3A_60  : i32 {
      %parallel_loop3A_111 = arith.index_cast %parallel_loop3A_110 : i32 to index
      %parallel_loop3A_112 = tpu.vector_load %arg6[%parallel_loop3A_111] {strides = array<i32>} : memref<8192xi32, #tpu.memory_space<vmem>>, vector<16xi32>,
      %parallel_loop3A_113 = vector.shape_cast %parallel_loop3A_112 : vector<16xi32> to vector<16xi32>
      %parallel_loop3A_114 = arith.index_cast %parallel_loop3A_110 : i32 to index
      %parallel_loop3A_115 = tpu.vector_load %arg7[%parallel_loop3A_114] {strides = array<i32>} : memref<8192xi32, #tpu.memory_space<vmem>>, vector<16xi32>,
      %parallel_loop3A_116 = vector.shape_cast %parallel_loop3A_115 : vector<16xi32> to vector<16xi32>
      %parallel_loop3A_117 = arith.index_cast %parallel_loop3A_110 : i32 to index
      %parallel_loop3A_118 = tpu.vector_load %arg8[%parallel_loop3A_117] {strides = array<i32>} : memref<8192xi32, #tpu.memory_space<vmem>>, vector<16xi32>,
      %parallel_loop3A_119 = vector.shape_cast %parallel_loop3A_118 : vector<16xi32> to vector<16xi32>
      %parallel_loop3A_120 = arith.minsi %parallel_loop3A_113, %parallel_loop3A_116 : vector<16xi32>
      %parallel_loop3A_121 = arith.minsi %parallel_loop3A_120, %parallel_loop3A_119 : vector<16xi32>
      %parallel_loop3A_122 = arith.cmpi eq, %parallel_loop3A_116, %parallel_loop3A_119 : vector<16xi32>
      %parallel_loop3A_123 = arith.select %parallel_loop3A_122, %parallel_loop3A_116, %parallel_loop3A_121 : vector<16xi1>, vector<16xi32>
      %parallel_loop3A_124 = arith.cmpi eq, %parallel_loop3A_113, %parallel_loop3A_116 : vector<16xi32>
      %parallel_loop3A_125 = arith.cmpi eq, %parallel_loop3A_113, %parallel_loop3A_119 : vector<16xi32>
      %parallel_loop3A_126 = arith.ori %parallel_loop3A_124, %parallel_loop3A_125 : vector<16xi1>
      %parallel_loop3A_127 = arith.select %parallel_loop3A_126, %parallel_loop3A_113, %parallel_loop3A_123 : vector<16xi1>, vector<16xi32>
      %parallel_loop3A_128 = arith.index_cast %parallel_loop3A_110 : i32 to index
      %parallel_loop3A_129 = tpu.vector_load %arg9[%parallel_loop3A_128] {strides = array<i32>} : memref<8192xi32, #tpu.memory_space<vmem>>, vector<16xi32>,
      %parallel_loop3A_130 = vector.shape_cast %parallel_loop3A_129 : vector<16xi32> to vector<16xi32>
      %parallel_loop3A_131 = vector.shape_cast %parallel_loop3A_127 : vector<16xi32> to vector<16xi32>
      tpu.vector_store %arg9[%parallel_loop3A_128], %parallel_loop3A_131 {strides = array<i32>} : memref<8192xi32, #tpu.memory_space<vmem>>, vector<16xi32>,
    } {sc.loop_unroll_factor = 2 : i64, sc.parallel_access}
    %add3A_61 = arith.constant 0 : i32
    %add3A_62 = arith.addi %mul3A_2, %add3A_61 : i32
    %dma_start3A_63 = arith.constant 0 : i32
    %dma_start3A_64 = tpu.memref_slice %arg9[%dma_start3A_63] : memref<8192xi32, #tpu.memory_space<vmem>> -> memref<4096xi32, #tpu.memory_space<vmem>>
    %dma_start3A_65 = tpu.memref_slice %arg5[%add3A_62] : memref<262144xi32, #tpu.memory_space<hbm>> -> memref<4096xi32, #tpu.memory_space<hbm>>
    %dma_start3A_66 = tpu.memref_slice %arg5[%add3A_62] : memref<262144xi32, #tpu.memory_space<hbm>> -> memref<4096xi32, #tpu.memory_space<hbm>>
    %dma_start3A_67 = arith.constant 0 : i32
    %dma_start3A_68 = tpu.memref_slice %arg9[%dma_start3A_67] : memref<8192xi32, #tpu.memory_space<vmem>> -> memref<4096xi32, #tpu.memory_space<vmem>>
    tpu.enqueue_dma source(%dma_start3A_68 : memref<4096xi32, #tpu.memory_space<vmem>>) target(%dma_start3A_66 : memref<4096xi32, #tpu.memory_space<hbm>>) target_semaphore(%arg12 : memref<!tpu.dma_semaphore, #tpu.memory_space<semaphore_mem>>)
    %dma_wait3A_69 = arith.constant 4096 : i32
    %dma_wait3A_70 = tpu.memref_slice %arg6[%dma_wait3A_69] : memref<8192xi32, #tpu.memory_space<vmem>> -> memref<4096xi32, #tpu.memory_space<vmem>>
    %dma_wait3A_71 = tpu.memref_slice %arg2[%add3A_23] : memref<262144xi32, #tpu.memory_space<hbm>> -> memref<4096xi32, #tpu.memory_space<hbm>>
    %dma_wait3A_72 = arith.constant 4096 : i32
    %dma_wait3A_73 = tpu.memref_slice %arg6[%dma_wait3A_72] : memref<8192xi32, #tpu.memory_space<vmem>> -> memref<4096xi32, #tpu.memory_space<vmem>>
    %dma_wait3A_74 = tpu.memref_slice %arg2[%add3A_23] : memref<262144xi32, #tpu.memory_space<hbm>> -> memref<4096xi32, #tpu.memory_space<hbm>>
    tpu.wait_dma2 semaphore(%arg11 : memref<!tpu.dma_semaphore, #tpu.memory_space<semaphore_mem>>) src(%dma_wait3A_74 : memref<4096xi32, #tpu.memory_space<hbm>>) dst(%dma_wait3A_73 : memref<4096xi32, #tpu.memory_space<vmem>>)
    %dma_wait3A_75 = arith.constant 4096 : i32
    %dma_wait3A_76 = tpu.memref_slice %arg7[%dma_wait3A_75] : memref<8192xi32, #tpu.memory_space<vmem>> -> memref<4096xi32, #tpu.memory_space<vmem>>
    %dma_wait3A_77 = tpu.memref_slice %arg3[%add3A_23] : memref<262144xi32, #tpu.memory_space<hbm>> -> memref<4096xi32, #tpu.memory_space<hbm>>
    %dma_wait3A_78 = arith.constant 4096 : i32
    %dma_wait3A_79 = tpu.memref_slice %arg7[%dma_wait3A_78] : memref<8192xi32, #tpu.memory_space<vmem>> -> memref<4096xi32, #tpu.memory_space<vmem>>
    %dma_wait3A_80 = tpu.memref_slice %arg3[%add3A_23] : memref<262144xi32, #tpu.memory_space<hbm>> -> memref<4096xi32, #tpu.memory_space<hbm>>
    tpu.wait_dma2 semaphore(%arg11 : memref<!tpu.dma_semaphore, #tpu.memory_space<semaphore_mem>>) src(%dma_wait3A_80 : memref<4096xi32, #tpu.memory_space<hbm>>) dst(%dma_wait3A_79 : memref<4096xi32, #tpu.memory_space<vmem>>)
    %dma_wait3A_81 = arith.constant 4096 : i32
    %dma_wait3A_82 = tpu.memref_slice %arg8[%dma_wait3A_81] : memref<8192xi32, #tpu.memory_space<vmem>> -> memref<4096xi32, #tpu.memory_space<vmem>>
    %dma_wait3A_83 = tpu.memref_slice %arg4[%add3A_23] : memref<262144xi32, #tpu.memory_space<hbm>> -> memref<4096xi32, #tpu.memory_space<hbm>>
    %dma_wait3A_84 = arith.constant 4096 : i32
    %dma_wait3A_85 = tpu.memref_slice %arg8[%dma_wait3A_84] : memref<8192xi32, #tpu.memory_space<vmem>> -> memref<4096xi32, #tpu.memory_space<vmem>>
    %dma_wait3A_86 = tpu.memref_slice %arg4[%add3A_23] : memref<262144xi32, #tpu.memory_space<hbm>> -> memref<4096xi32, #tpu.memory_space<hbm>>
    tpu.wait_dma2 semaphore(%arg11 : memref<!tpu.dma_semaphore, #tpu.memory_space<semaphore_mem>>) src(%dma_wait3A_86 : memref<4096xi32, #tpu.memory_space<hbm>>) dst(%dma_wait3A_85 : memref<4096xi32, #tpu.memory_space<vmem>>)
    %parallel_loop3A_87 = arith.constant 4096 : i32
    %parallel_loop3A_88 = arith.constant 8192 : i32
    %parallel_loop3A_89 = arith.constant 16 : i32
    scf.for %parallel_loop3A_110 = %parallel_loop3A_87 to %parallel_loop3A_88 step %parallel_loop3A_89  : i32 {
      %parallel_loop3A_111 = arith.index_cast %parallel_loop3A_110 : i32 to index
      %parallel_loop3A_112 = tpu.vector_load %arg6[%parallel_loop3A_111] {strides = array<i32>} : memref<8192xi32, #tpu.memory_space<vmem>>, vector<16xi32>,
      %parallel_loop3A_113 = vector.shape_cast %parallel_loop3A_112 : vector<16xi32> to vector<16xi32>
      %parallel_loop3A_114 = arith.index_cast %parallel_loop3A_110 : i32 to index
      %parallel_loop3A_115 = tpu.vector_load %arg7[%parallel_loop3A_114] {strides = array<i32>} : memref<8192xi32, #tpu.memory_space<vmem>>, vector<16xi32>,
      %parallel_loop3A_116 = vector.shape_cast %parallel_loop3A_115 : vector<16xi32> to vector<16xi32>
      %parallel_loop3A_117 = arith.index_cast %parallel_loop3A_110 : i32 to index
      %parallel_loop3A_118 = tpu.vector_load %arg8[%parallel_loop3A_117] {strides = array<i32>} : memref<8192xi32, #tpu.memory_space<vmem>>, vector<16xi32>,
      %parallel_loop3A_119 = vector.shape_cast %parallel_loop3A_118 : vector<16xi32> to vector<16xi32>
      %parallel_loop3A_120 = arith.minsi %parallel_loop3A_113, %parallel_loop3A_116 : vector<16xi32>
      %parallel_loop3A_121 = arith.minsi %parallel_loop3A_120, %parallel_loop3A_119 : vector<16xi32>
      %parallel_loop3A_122 = arith.cmpi eq, %parallel_loop3A_116, %parallel_loop3A_119 : vector<16xi32>
      %parallel_loop3A_123 = arith.select %parallel_loop3A_122, %parallel_loop3A_116, %parallel_loop3A_121 : vector<16xi1>, vector<16xi32>
      %parallel_loop3A_124 = arith.cmpi eq, %parallel_loop3A_113, %parallel_loop3A_116 : vector<16xi32>
      %parallel_loop3A_125 = arith.cmpi eq, %parallel_loop3A_113, %parallel_loop3A_119 : vector<16xi32>
      %parallel_loop3A_126 = arith.ori %parallel_loop3A_124, %parallel_loop3A_125 : vector<16xi1>
      %parallel_loop3A_127 = arith.select %parallel_loop3A_126, %parallel_loop3A_113, %parallel_loop3A_123 : vector<16xi1>, vector<16xi32>
      %parallel_loop3A_128 = arith.index_cast %parallel_loop3A_110 : i32 to index
      %parallel_loop3A_129 = tpu.vector_load %arg9[%parallel_loop3A_128] {strides = array<i32>} : memref<8192xi32, #tpu.memory_space<vmem>>, vector<16xi32>,
      %parallel_loop3A_130 = vector.shape_cast %parallel_loop3A_129 : vector<16xi32> to vector<16xi32>
      %parallel_loop3A_131 = vector.shape_cast %parallel_loop3A_127 : vector<16xi32> to vector<16xi32>
      tpu.vector_store %arg9[%parallel_loop3A_128], %parallel_loop3A_131 {strides = array<i32>} : memref<8192xi32, #tpu.memory_space<vmem>>, vector<16xi32>,
    } {sc.loop_unroll_factor = 2 : i64, sc.parallel_access}
    %add3A_90 = arith.constant 4096 : i32
    %add3A_91 = arith.addi %mul3A_2, %add3A_90 : i32
    %dma_start3A_92 = arith.constant 4096 : i32
    %dma_start3A_93 = tpu.memref_slice %arg9[%dma_start3A_92] : memref<8192xi32, #tpu.memory_space<vmem>> -> memref<4096xi32, #tpu.memory_space<vmem>>
    %dma_start3A_94 = tpu.memref_slice %arg5[%add3A_91] : memref<262144xi32, #tpu.memory_space<hbm>> -> memref<4096xi32, #tpu.memory_space<hbm>>
    %dma_start3A_95 = tpu.memref_slice %arg5[%add3A_91] : memref<262144xi32, #tpu.memory_space<hbm>> -> memref<4096xi32, #tpu.memory_space<hbm>>
    %dma_start3A_96 = arith.constant 4096 : i32
    %dma_start3A_97 = tpu.memref_slice %arg9[%dma_start3A_96] : memref<8192xi32, #tpu.memory_space<vmem>> -> memref<4096xi32, #tpu.memory_space<vmem>>
    tpu.enqueue_dma source(%dma_start3A_97 : memref<4096xi32, #tpu.memory_space<vmem>>) target(%dma_start3A_95 : memref<4096xi32, #tpu.memory_space<hbm>>) target_semaphore(%arg12 : memref<!tpu.dma_semaphore, #tpu.memory_space<semaphore_mem>>)
    %dma_wait3A_98 = arith.constant 0 : i32
    %dma_wait3A_99 = tpu.memref_slice %arg9[%dma_wait3A_98] : memref<8192xi32, #tpu.memory_space<vmem>> -> memref<4096xi32, #tpu.memory_space<vmem>>
    %dma_wait3A_100 = tpu.memref_slice %arg5[%add3A_62] : memref<262144xi32, #tpu.memory_space<hbm>> -> memref<4096xi32, #tpu.memory_space<hbm>>
    %dma_wait3A_101 = tpu.memref_slice %arg5[%add3A_62] : memref<262144xi32, #tpu.memory_space<hbm>> -> memref<4096xi32, #tpu.memory_space<hbm>>
    %dma_wait3A_102 = arith.constant 0 : i32
    %dma_wait3A_103 = tpu.memref_slice %arg9[%dma_wait3A_102] : memref<8192xi32, #tpu.memory_space<vmem>> -> memref<4096xi32, #tpu.memory_space<vmem>>
    tpu.wait_dma2 semaphore(%arg12 : memref<!tpu.dma_semaphore, #tpu.memory_space<semaphore_mem>>) src(%dma_wait3A_103 : memref<4096xi32, #tpu.memory_space<vmem>>) dst(%dma_wait3A_101 : memref<4096xi32, #tpu.memory_space<hbm>>)
    %dma_wait3A_104 = arith.constant 4096 : i32
    %dma_wait3A_105 = tpu.memref_slice %arg9[%dma_wait3A_104] : memref<8192xi32, #tpu.memory_space<vmem>> -> memref<4096xi32, #tpu.memory_space<vmem>>
    %dma_wait3A_106 = tpu.memref_slice %arg5[%add3A_91] : memref<262144xi32, #tpu.memory_space<hbm>> -> memref<4096xi32, #tpu.memory_space<hbm>>
    %dma_wait3A_107 = tpu.memref_slice %arg5[%add3A_91] : memref<262144xi32, #tpu.memory_space<hbm>> -> memref<4096xi32, #tpu.memory_space<hbm>>
    %dma_wait3A_108 = arith.constant 4096 : i32
    %dma_wait3A_109 = tpu.memref_slice %arg9[%dma_wait3A_108] : memref<8192xi32, #tpu.memory_space<vmem>> -> memref<4096xi32, #tpu.memory_space<vmem>>
    tpu.wait_dma2 semaphore(%arg12 : memref<!tpu.dma_semaphore, #tpu.memory_space<semaphore_mem>>) src(%dma_wait3A_109 : memref<4096xi32, #tpu.memory_space<vmem>>) dst(%dma_wait3A_107 : memref<4096xi32, #tpu.memory_space<hbm>>)
    return
  }
}

</mosaic_0001>

<sc_bundles>
// kernel: kernel.3.cloned.1.call-start
scs
__scs_entry_jumppad:
0x0: {  	(pc) =	sbr.rel $0x88, $3  }
0x1: {  	(tag) =	ssettag $0x0;
	lr =	simm.s32 $0x1  }
0x2: {  	[smem:$0x3F9E] =	sst lr;
	_ =	strace $0xD0000000  }
0x3: {  	_ = 	snop  }
0x4: {  	_ = 	snop  }
0x5: {  	_ = 	snop  }
0x6: {  	_ = 	snop  }
0x7: {  	_ = 	snop  }
__scs_overlays_trampoline_lowered:
0x8: {  	[smem:$0x3FAD] =	sst s0  }
0x9: {  	[smem:$0x3FAE] =	sst s1  }
0xa: {  	[smem:$0x3FAF] =	sst s2  }
0xb: {  	[smem:$0x3FB0] =	sst s3  }
0xc: {  	[smem:$0x3FB1] =	sst s4  }
0xd: {  	[smem:$0x3FB2] =	sst s5  }
0xe: {  	[smem:$0x3FB3] =	sst s6  }
0xf: {  	[smem:$0x3FB4] =	sst s7  }
0x10: {  	[smem:$0x3FB5] =	sst s8  }
0x11: {  	[smem:$0x3FB6] =	sst s9;
	s0 =	simm.s32 @!p0 $0x0  }
0x12: {  	s1 =	sld [smem:$0x3F9C];
	s0 =	simm.s32 @p0 $0x1  }
0x13: {  	[smem:$0x3FB7] =	sst s0;
	s0 =	simm.s32 @!p1 $0x0  }
0x14: {  	s2 =	sld [smem:$0x3F9B];
	s0 =	simm.s32 @p1 $0x1  }
0x15: {  	[smem:$0x3FB8] =	sst s0;
	s0 =	simm.s32 @!p2 $0x0  }
0x16: {  	s3 =	sld [smem:$0x3FDB];
	s0 =	simm.s32 @p2 $0x1  }
0x17: {  	s4 =	simm.s32 $0x1BF5;
	[smem:$0x3FBA] =	sst s0  }
0x18: {  	s0 =	sld [smem:$0x3F9D];
	_ =	swait.ge [sflag:s4], $0x0  }
0x19: {  	s7 =	sld [smem:$0x3F9E]  }
0x1a: {  	s8 =	sadd.s32 $0xFFFFE003, lr  }
0x1b: {  	s9 =	sadd.s32 $0xFFFFFEF7, lr;
	s5 =	simm.s32 $0xFFFFFFFF;
	p2 =	slt.u32 s8, $0xFFFFF086  }
0x1c: {  	p1 =	slt.u32 s9, $0xF7A;
	s5 =	simm.s32 @!p2 $0x0  }
0x1d: {  	s5 =	simm.s32 @p1 $0x1;
	p0 =	seq.s32 s7, s2  }
0x1e: {  	s7 =	smul.u32 @!p0 $0xF7A, s2;
	p2 =	seq.s32 @!p0 s5, $0x0  }
0x1f: {  	s9 =	smul.u32 $0xF7A, s1;
	s8 =	simm.s32 @!p0 $0x1BF5;
	p2 =	por !p2, p0  }
0x20: {  	[sflag:s8] =	ssyncset.s32 @!p0 $0xFFFFF086;
	s6 =	sadd.s32 @!p0 s3, s7;
	s7 =	simm.s32 @!p0 $0x108  }
0x21: {  	s3 =	sadd.s32 s3, s9;
	s6 =	sadd.s32 @!p0 $0x88, s6;
	s7 =	simm.s32 @p2 $0x1082  }
0x22: {  	[simem:s7], [sflag:s8] =	dma.local @!p0 [hbm:s6], $0xF7A  }
0x23: {  	s9 =	sor.u32 $0xD0000000, s2;
	s6 =	simm.s32 $0x108;
	_ =	swait.ge @!p0 [sflag:s8], $0x0  }
0x24: {  	s3 =	sadd.s32 $0x88, s3;
	s6 =	simm.s32 @!p1 $0x1082;
	[sflag:s4] =	ssyncset.s32 $0xFFFFF086  }
0x25: {  	[simem:s6], [sflag:s4] =	dma.local [hbm:s3], $0xF7A  }
0x26: {  	[smem:$0x3F9E] =	sst s1;
	(tag) =	ssettag s2;
	_ =	strace s9  }
0x27: {  	s1 =	sld [smem:$0x3FAE]  }
0x28: {  	s2 =	sld [smem:$0x3FAF]  }
0x29: {  	s4 =	sld [smem:$0x3FB1]  }
0x2a: {  	p0 =	seq.s32 s5, $0x0;
	s5 =	sld [smem:$0x3FB2]  }
0x2b: {  	s6 =	sld [smem:$0x3FB3]  }
0x2c: {  	s7 =	sld [smem:$0x3FB4]  }
0x2d: {  	s3 =	simm.s32 $0x108;
	s8 =	sld [smem:$0x3FB5]  }
0x2e: {  	s3 =	simm.s32 @!p0 $0x1082;
	s9 =	sld [smem:$0x3FB6]  }
0x2f: {  	lr =	sadd.s32 s0, s3;
	s0 =	sld [smem:$0x3FAD]  }
0x30: {  	s3 =	sld [smem:$0x3FB0]  }
0x31: {  	[smem:$0x3FB9] =	sst s10  }
0x32: {  	s10 =	sld [smem:$0x3FB7];
	_ =	sdelay $0x3  }
0x33: {  	p0 =	seq.s32 s10, $0x1;
	s10 =	sld [smem:$0x3FB9];
	_ =	sdelay $0x3  }
0x34: {  	[smem:$0x3FB9] =	sst s10  }
0x35: {  	s10 =	sld [smem:$0x3FB8];
	_ =	sdelay $0x3  }
0x36: {  	p1 =	seq.s32 s10, $0x1;
	s10 =	sld [smem:$0x3FB9];
	_ =	sdelay $0x3  }
0x37: {  	[smem:$0x3FB9] =	sst s10  }
0x38: {  	s10 =	sld [smem:$0x3FBA]  }
0x39: {  	_ = 	snop;
	(pc) =	sbr.ind lr, $3  }
0x3a: {  	_ = 	snop  }
0x3b: {  	_ = 	snop  }
0x3c: {  	p2 =	seq.s32 s10, $0x1;
	s10 =	sld [smem:$0x3FB9]  }
0x3d: {  	_ =	shalt  }
0x3e: {  	_ =	shalt  }
0x3f: {  	_ =	shalt  }
0x40: {  	_ =	shalt  }
0x41: {  	_ =	shalt  }
0x42: {  	_ =	shalt  }
0x43: {  	_ =	shalt  }
0x44: {  	_ =	shalt  }
0x45: {  	_ =	shalt  }
0x46: {  	_ =	shalt  }
0x47: {  	_ =	shalt  }
0x48: {  	_ =	shalt  }
0x49: {  	_ =	shalt  }
0x4a: {  	_ =	shalt  }
0x4b: {  	_ =	shalt  }
0x4c: {  	_ =	shalt  }
0x4d: {  	_ =	shalt  }
0x4e: {  	_ =	shalt  }
0x4f: {  	_ =	shalt  }
0x50: {  	_ =	shalt  }
0x51: {  	_ =	shalt  }
0x52: {  	_ =	shalt  }
0x53: {  	_ =	shalt  }
0x54: {  	_ =	shalt  }
0x55: {  	_ =	shalt  }
0x56: {  	_ =	shalt  }
0x57: {  	_ =	shalt  }
0x58: {  	_ =	shalt  }
0x59: {  	_ =	shalt  }
0x5a: {  	_ =	shalt  }
0x5b: {  	_ =	shalt  }
0x5c: {  	_ =	shalt  }
0x5d: {  	_ =	shalt  }
0x5e: {  	_ =	shalt  }
0x5f: {  	_ =	shalt  }
0x60: {  	_ =	shalt  }
0x61: {  	_ =	shalt  }
0x62: {  	_ =	shalt  }
0x63: {  	_ =	shalt  }
0x64: {  	_ =	shalt  }
0x65: {  	_ =	shalt  }
0x66: {  	_ =	shalt  }
0x67: {  	_ =	shalt  }
0x68: {  	_ =	shalt  }
0x69: {  	_ =	shalt  }
0x6a: {  	_ =	shalt  }
0x6b: {  	_ =	shalt  }
0x6c: {  	_ =	shalt  }
0x6d: {  	_ =	shalt  }
0x6e: {  	_ =	shalt  }
0x6f: {  	_ =	shalt  }
0x70: {  	_ =	shalt  }
0x71: {  	_ =	shalt  }
0x72: {  	_ =	shalt  }
0x73: {  	_ =	shalt  }
0x74: {  	_ =	shalt  }
0x75: {  	_ =	shalt  }
0x76: {  	_ =	shalt  }
0x77: {  	_ =	shalt  }
0x78: {  	_ =	shalt  }
0x79: {  	_ =	shalt  }
0x7a: {  	_ =	shalt  }
0x7b: {  	_ =	shalt  }
0x7c: {  	_ =	shalt  }
0x7d: {  	_ =	shalt  }
0x7e: {  	_ =	shalt  }
0x7f: {  	_ =	shalt  }
0x80: {  	_ =	shalt  }
0x81: {  	_ =	shalt  }
0x82: {  	_ =	shalt  }
0x83: {  	_ =	shalt  }
0x84: {  	_ =	shalt  }
0x85: {  	_ =	shalt  }
0x86: {  	_ =	shalt  }
0x87: {  	_ =	shalt  }
.Lfunc_end0:
.L_simem_size_0:
called_computation_lowered:
.L_overlay_start_0:
0x88: {  	s2 =	sld [smem:$0x3FD9]  }
0x89: {  	s3 =	sld [smem:$0x3FFE];
	_ =	sdelay $0x1  }
0x8a: {  	s1 =	srdreg.scid  }
0x8b: {  	s0 =	sand.u32 $0x1, s1  }
0x8c: {  	s17 =	sshll.u32 s0, $0xA;
	s2 =	sadd.s32 s3, s2  }
0x8d: {  	s2 =	sadd.s32 s2, s17  }
0x8e: {  	[smem:$0x3FC5] =	sst s2  }
0x8f: {  	_ = 	snop  }
0x90: {  	s2 =	sld [smem:$0x3FD0];
	(tm) =	ssettm $0x1  }
0x91: {  	s18 =	sld [smem:$0x3FFB];
	_ =	sdelay $0x3  }
0x92: {  	_ =	strace s18  }
0x93: {  	s3 =	sld [smem:$0x3FFC];
	_ =	sdelay $0x3  }
0x94: {  	_ =	strace s3  }
0x95: {  	s3 =	sld [smem:$0x3FFD];
	_ =	sdelay $0x3  }
0x96: {  	_ =	strace s3  }
0x97: {  	_ =	strace $0x8FFFFFFF  }
0x98: {  	s19 =	sld [smem:$0x3FDB];
	_ =	sdelay $0x1  }
0x99: {  	s4 =	simm.s32 $_scs_section_size  }
0x9a: {  	s5 =	simm.s32 $_size__tile_overlayer_lowered;
	s6 =	simm.s32 $_tile_overlayer_lowered  }
0x9b: {  	s22 =	simm.s32 $0x1BFF;
	s21 =	sshll.u32 s6, $0x1;
	s3 =	sadd.s32 s4, s19  }
0x9c: {  	s7 =	simm.s32 $0x0;
	s20 =	sshll.u32 s5, $0x1;
	s5 =	sadd.s32 s21, s3  }
0x9d: {  	[timem:s7], [sflag:s22] =	dma.local [hbm:s5], s20  }
0x9e: {  	_ =	swait.ge [sflag:s22], s20  }
0x9f: {  	s4 =	ssub.s32 $0x0, s20;
	[sflag:s22] =	ssyncset.done $0x0  }
0xa0: {  	[sflag:s22] =	ssyncadd.s32 s4;
	_ =	sdelay $0x1  }
0xa1: {  	s23 =	simm.s32 $0x1B8B  }
0xa2: {  	_ =	swait.ge [sflag:s23], $0x1  }
0xa3: {  	[sflag:s23] =	ssyncset.done $0x0  }
0xa4: {  	s25 =	simm.s32 $0x1B8E;
	s24 =	sld [smem:$0x3FFE];
	[sflag:s23] =	ssyncadd.s32 $0xFFFFFFFF  }
0xa5: {  	s26 =	simm.s32 $execute0_lowered;
	[smem:$0x3FD2] =	sst s25  }
0xa6: {  	s5 =	sshll.u32 s26, $0x1;
	_ =	strace $0x80000046;
	[dreg:$0x1] =	wrdreg $0xFFFFFFFF  }
0xa7: {  	s28 =	simm.s32 $_size_execute0_lowered;
	s3 =	sadd.s32 s3, s5;
	[dreg:$0x0] =	wrdreg $0x0  }
0xa8: {  	s5 =	sshll.u32 s28, $0x1;
	[dreg:$0x2] =	wrdreg s3  }
0xa9: {  	[dreg:$0x3] =	wrdreg s5  }
0xaa: {  	[dreg:$0x4] =	wrdreg $0xC0  }
0xab: {  	_ =	task [dreg:s7], $0x5FFFF  }
0xac: {  	[dreg:$0x1] =	wrdreg $0xFFFFFFFF  }
0xad: {  	[dreg:$0x0] =	wrdreg $0x60  }
0xae: {  	[dreg:$0x2] =	wrdreg s2  }
0xaf: {  	[dreg:$0x3] =	wrdreg s24  }
0xb0: {  	[dreg:$0x4] =	wrdreg $0x9  }
0xb1: {  	_ =	task.clear_ibuf [dreg:s7], $0x5FFFF;
	_ =	strace $0x90000046  }
0xb2: {  	s29 =	simm.s32 $0x9;
	_ =	strace $0x80000048  }
0xb3: {  	_ =	swait.ge [sflag:s29], $0x1  }
0xb4: {  	[sflag:s29] =	ssyncadd.s32 $0xFFFFFFFF  }
0xb5: {  	_ =	strace $0x90000048  }
0xb6: {  	_ =	sfence  }
0xb7: {  	s30 =	sld [smem:$0x0];
	_ =	sdelay $0x2  }
0xb8: {  	s31 =	sshll.u32 s1, $0xD;
	s1 =	sshrl.u32 s1, $0x2  }
0xb9: {  	s3 =	sand.u32 $0x4000, s31;
	s1 =	sadd.s32 s1, s30  }
0xba: {  	s0 =	sor.u32 s3, s0;
	s1 =	sshll.u32 s1, $0x11  }
0xbb: {  	s0 =	sor.u32 s1, s0  }
0xbc: {  	s0 =	sadd.s32 $0x8F2B, s0  }
0xbd: {  	[sflag:s0] =	ssyncadd.remote.s32 $0x1  }
0xbe: {  	_ =	sfence.sel $0xFFFF  }
0xbf: {  	[dreg:$0x0] =	wrdreg $0xFFFFFFFF;
	(pc) =	sbr.abs _section_cstart, $3  }
0xc0: {  	[dreg:$0x1] =	wrdreg $0xFFFFFFFF  }
0xc1: {  	_ =	task.clear_ibuf [dreg:s7], $0x2FFFF;
	_ =	strace $0x9FFFFFFF  }
0xc2: {  	(tm) =	ssettm $0x7FFFFFFF  }
0xc3: {  	_ =	shalt  }
tec
execute0_lowered:
.L_overlay_start_1:
0x0: {  	(tag) =	ssettag $0x1  }
0x1: {  	s6 =	rddreg [dreg:$0x0]  }
0x2: {  	s3 =	rddreg [dreg:$0x1]  }
0x3: {  	s0 =	rddreg [dreg:$0x2]  }
0x4: {  	s1 =	simm.s32 $0x0;
	s2 =	srdreg.scid;
	s13 =	simm.s32 $0x4000  }
0x5: {  	s14 =	simm.s32 $0x1000;
	s15 =	simm.s32 $0x3000;
	s16 =	simm.s32 $0x5000  }
0x6: {  	s17 =	simm.s32 $0x1;
	s18 =	simm.s32 $0x6000;
	s19 =	simm.s32 $0x2  }
0x7: {  	s20 =	simm.s32 $0x7000;
	s21 =	simm.s32 $0x3;
	s22 =	simm.s32 $0x0  }
0x8: {  	[smem:$0x7FF] =	sst s1;
	s7 =	sadd.s32 $0x800, s3;
	s4 =	sand.u32 $0x1, s2  }
0x9: {  	s8 =	sadd.s32 $0x8800, s3;
	s2 =	stileid.u32;
	s11 =	sadd.s32 $0x10800, s3  }
0xa: {  	s5 =	ssub.s32 $0x2, s4;
	s10 =	sshll.u32 s2, $0xB;
	s4 =	sshll.u32 s4, $0xA  }
0xb: {  	_ =	strace $0x80000047;
	s9 =	sshrl.u32 s5, $0x1;
	s31 =	sor.u32 s4, s10  }
0xc: {  	s12 =	ssub.s32 s5, s9;
	s3 =	sadd.s32 s6, s31;
	s4 =	sadd.s32 s7, s31  }
0xd: {  	s10 =	sor.u32 $0x200, s31;
	s5 =	sadd.s32 s8, s31;
	s9 =	sadd.s32 s11, s31  }
0xe: {  	s6 =	sadd.s32 s6, s10;
	s7 =	sadd.s32 s7, s10;
	s8 =	sadd.s32 s8, s10  }
0xf: {  	s10 =	sadd.s32 s11, s10;
	s11 =	smax.u32 s12, $0x1;
	s12 =	simm.s32 $0x2000  }
.LBB2_1:
0x10: {  	[tilespmem:s1], [sflag:$0x1] =	stream.linear.gather [hbm4b:s3+s1], $0x1000, $0x38;
	[tilespmem:$0x8000] =	vst v63  }
0x11: {  	_ = 	snop  }
0x12: {  	[tilespmem:s12], [sflag:$0x1] =	stream.linear.gather [hbm4b:s4+s1], $0x1000, $0x38;
	[tilespmem:$0x8000] =	vst v63  }
0x13: {  	_ = 	snop  }
0x14: {  	[tilespmem:s13], [sflag:$0x1] =	stream.linear.gather [hbm4b:s5+s1], $0x1000, $0x38;
	[tilespmem:$0x8000] =	vst v63  }
0x15: {  	_ = 	snop  }
0x16: {  	[tilespmem:s14], [sflag:$0x2] =	stream.linear.gather [hbm4b:s6+s1], $0x1000, $0x38;
	[tilespmem:$0x8000] =	vst v63  }
0x17: {  	_ = 	snop  }
0x18: {  	[tilespmem:s15], [sflag:$0x2] =	stream.linear.gather [hbm4b:s7+s1], $0x1000, $0x38;
	[tilespmem:$0x8000] =	vst v63  }
0x19: {  	_ = 	snop  }
0x1a: {  	[tilespmem:s16], [sflag:$0x2] =	stream.linear.gather [hbm4b:s8+s1], $0x1000, $0x38;
	[tilespmem:$0x8000] =	vst v63  }
0x1b: {  	_ =	swait.ge [sflag:s17], $0x1000  }
0x1c: {  	[sflag:s17] =	ssyncset.done $0x0  }
0x1d: {  	[sflag:s17] =	ssyncadd.s32 $0xFFFFF000  }
0x1e: {  	_ =	swait.ge [sflag:s17], $0x1000  }
0x1f: {  	[sflag:s17] =	ssyncset.done $0x0  }
0x20: {  	[sflag:s17] =	ssyncadd.s32 $0xFFFFF000  }
0x21: {  	_ =	swait.ge [sflag:s17], $0x1000  }
0x22: {  	[sflag:s17] =	ssyncset.done $0x0  }
0x23: {  	s23 =	simm.s32 $0x10;
	[sflag:s17] =	ssyncadd.s32 $0xFFFFF000  }
0x24: {  	s24 =	simm.s32 $0x2010;
	v3 =	vld [tilespmem:s23+$0x0]  }
0x25: {  	v5 =	vld [tilespmem:s24+$0x0]  }
0x26: {  	s25 =	simm.s32 $0x4010  }
0x27: {  	v2 =	vld [tilespmem:s25+$0x0]  }
0x28: {  	v1 =	vld [tilespmem:s24+$0xFFFFFFF0]  }
0x29: {  	v4 =	vld [tilespmem:s23+$0xFFFFFFF0]  }
0x2a: {  	s26 =	simm.s32 $0x30;
	v8 =	vld [tilespmem:s25+$0xFFFFFFF0];
	vm0 =	vlt.s32 v3, v5  }
0x2b: {  	v0 =	vld [tilespmem:s26+$0x0];
	s24 =	simm.s32 $0x2030;
	v7 =	vsel vm0, v3, v5  }
0x2c: {  	v6 =	vld [tilespmem:s24+$0x0];
	vm1 =	veq.s32 v5, v2;
	vm0 =	vlt.s32 v7, v2  }
0x2d: {  	s25 =	simm.s32 $0x4030;
	vm2 =	veq.s32 v3, v2;
	v7 =	vsel vm0, v7, v2;
	vm0 =	veq.s32 v3, v5;
	v2 =	vld [tilespmem:s24+$0xFFFFFFF0]  }
0x2e: {  	vm3 =	vlt.s32 v4, v1;
	v7 =	vsel vm1, v5, v7;
	vm1 =	vmor vm0, vm2;
	v5 =	vld [tilespmem:s25+$0x0]  }
0x2f: {  	vm4 =	veq.s32 v4, v8;
	v9 =	vsel vm3, v4, v1;
	v10 =	vsel vm1, v3, v7;
	v3 =	vld [tilespmem:s26+$0xFFFFFFF0]  }
0x30: {  	s23 =	simm.s32 $0x6010;
	vm3 =	veq.s32 v4, v1;
	vm0 =	veq.s32 v1, v8;
	vm1 =	vlt.s32 v9, v8;
	v7 =	vld [tilespmem:s25+$0xFFFFFFF0]  }
0x31: {  	s28 =	simm.s32 $0x50;
	vm2 =	vlt.s32 v0, v6;
	s26 =	simm.s32 $0x20;
	[tilespmem:s23+$0x0] =	vst v10;
	v8 =	vsel vm1, v9, v8;
	vm1 =	vmor vm3, vm4  }
.LBB2_2:
0x32: {  	v9 =	vld [tilespmem:s28+$0x0];
	v10 =	vsel vm2, v0, v6;
	s24 =	sadd.s32 $0x20, s24;
	v8 =	vsel vm0, v1, v8;
	v1 =	vmov v2;
	s26 =	sadd.s32 $0x20, s26  }
0x33: {  	v11 =	vld [tilespmem:s24+$0x0];
	vm0 =	vlt.s32 v10, v5;
	vm2 =	veq.s32 v6, v5;
	v12 =	vsel vm1, v4, v8;
	p0 =	slt.u32 s26, $0xFE0  }
.Ltmp0:
0x34: {  	s25 =	sadd.s32 $0x20, s25;
	vm1 =	veq.s32 v0, v5;
	v2 =	vld [tilespmem:s24+$0xFFFFFFF0];
	v10 =	vsel vm0, v10, v5;
	vm0 =	veq.s32 v0, v6;
	[tilespmem:s23+$0xFFFFFFF0] =	vst v12;
	(pc) =	sbr.rel @p0 .LBB2_2-.Ltmp0, $4  }
0x35: {  	vm3 =	vlt.s32 v3, v1;
	v4 =	vmovc v3;
	v5 =	vld [tilespmem:s25+$0x0];
	v6 =	vsel vm2, v6, v10;
	vm1 =	vmor vm0, vm1;
	v8 =	vmovc v7  }
0x36: {  	s23 =	sadd.s32 $0x20, s23;
	v10 =	vsel vm3, v4, v1;
	v3 =	vld [tilespmem:s28+$0xFFFFFFF0];
	vm0 =	veq.s32 v1, v8;
	v12 =	vsel vm1, v0, v6  }
0x37: {  	vm3 =	veq.s32 v4, v1;
	vm1 =	vlt.s32 v10, v8;
	vm4 =	veq.s32 v4, v8;
	v7 =	vld [tilespmem:s25+$0xFFFFFFF0];
	[tilespmem:s23+$0x0] =	vst v12  }
0x38: {  	s28 =	sadd.s32 $0x20, s28;
	v8 =	vsel vm1, v10, v8;
	vm1 =	vmor vm3, vm4;
	v0 =	vmovc v9;
	vm2 =	vlt.s32 v9, v11;
	v6 =	vmovc v11  }
0x39: {  	v9 =	vsel vm2, v0, v6;
	v1 =	vsel vm0, v1, v8  }
0x3a: {  	vm0 =	vlt.s32 v9, v5;
	vm2 =	veq.s32 v6, v5;
	v1 =	vsel vm1, v4, v1  }
0x3b: {  	vm3 =	veq.s32 v0, v5;
	v4 =	vsel vm0, v9, v5;
	vm1 =	vlt.s32 v3, v2  }
0x3c: {  	vm0 =	veq.s32 v0, v6;
	v4 =	vsel vm2, v6, v4;
	v5 =	vsel vm1, v3, v2  }
0x3d: {  	vm0 =	vmor vm0, vm3;
	vm1 =	veq.s32 v2, v7;
	vm2 =	vlt.s32 v5, v7  }
0x3e: {  	vm3 =	veq.s32 v3, v2;
	vm4 =	veq.s32 v3, v7;
	v5 =	vsel vm2, v5, v7  }
0x3f: {  	s30 =	sadd.s32 $0x20, s23;
	[tilespmem:s23+$0xFFFFFFF0] =	vst v1;
	v0 =	vsel vm0, v0, v4;
	vm0 =	vmor vm3, vm4;
	v1 =	vsel vm1, v2, v5  }
0x40: {  	[tilespmem:s30+$0x0] =	vst v0;
	v0 =	vsel vm0, v3, v1  }
0x41: {  	[tilespmem:s30+$0xFFFFFFF0] =	vst v0  }
0x42: {  	[hbm4b:s9+s1] =	stream.linear.scatter [tilespmem:s18], [sflag:$0x3], $0x1000, $0x38;
	[tilespmem:$0x8000] =	vst v63  }
0x43: {  	_ =	swait.ge [sflag:s19], $0x1000  }
0x44: {  	[sflag:s19] =	ssyncset.done $0x0  }
0x45: {  	[sflag:s19] =	ssyncadd.s32 $0xFFFFF000  }
0x46: {  	_ =	swait.ge [sflag:s19], $0x1000  }
0x47: {  	[sflag:s19] =	ssyncset.done $0x0  }
0x48: {  	[sflag:s19] =	ssyncadd.s32 $0xFFFFF000  }
0x49: {  	_ =	swait.ge [sflag:s19], $0x1000  }
0x4a: {  	[sflag:s19] =	ssyncset.done $0x0  }
0x4b: {  	s31 =	simm.s32 $0x1010;
	[sflag:s19] =	ssyncadd.s32 $0xFFFFF000  }
0x4c: {  	s24 =	simm.s32 $0x3010;
	v3 =	vld [tilespmem:s31+$0x0]  }
0x4d: {  	v5 =	vld [tilespmem:s24+$0x0]  }
0x4e: {  	s25 =	simm.s32 $0x5010  }
0x4f: {  	v2 =	vld [tilespmem:s25+$0x0]  }
0x50: {  	v1 =	vld [tilespmem:s24+$0xFFFFFFF0]  }
0x51: {  	v4 =	vld [tilespmem:s31+$0xFFFFFFF0]  }
0x52: {  	s26 =	simm.s32 $0x1030;
	v8 =	vld [tilespmem:s25+$0xFFFFFFF0];
	vm0 =	vlt.s32 v3, v5  }
0x53: {  	v0 =	vld [tilespmem:s26+$0x0];
	s24 =	simm.s32 $0x3030;
	v7 =	vsel vm0, v3, v5  }
0x54: {  	v6 =	vld [tilespmem:s24+$0x0];
	vm1 =	veq.s32 v5, v2;
	vm0 =	vlt.s32 v7, v2  }
0x55: {  	s25 =	simm.s32 $0x5030;
	vm2 =	veq.s32 v3, v2;
	v7 =	vsel vm0, v7, v2;
	vm0 =	veq.s32 v3, v5;
	v2 =	vld [tilespmem:s24+$0xFFFFFFF0]  }
0x56: {  	vm3 =	vlt.s32 v4, v1;
	v7 =	vsel vm1, v5, v7;
	vm1 =	vmor vm0, vm2;
	v5 =	vld [tilespmem:s25+$0x0]  }
0x57: {  	vm15 =	veq.s32 v4, v8;
	v9 =	vsel vm3, v4, v1;
	v10 =	vsel vm1, v3, v7;
	v3 =	vld [tilespmem:s26+$0xFFFFFFF0]  }
0x58: {  	s23 =	simm.s32 $0x7010;
	vm3 =	veq.s32 v4, v1;
	vm0 =	veq.s32 v1, v8;
	vm1 =	vlt.s32 v9, v8;
	v7 =	vld [tilespmem:s25+$0xFFFFFFF0]  }
0x59: {  	s28 =	simm.s32 $0x1050;
	vm2 =	vlt.s32 v0, v6;
	s26 =	simm.s32 $0x1020;
	[tilespmem:s23+$0x0] =	vst v10;
	v8 =	vsel vm1, v9, v8;
	vm1 =	vmor vm3, vm15  }
.LBB2_4:
0x5a: {  	v9 =	vld [tilespmem:s28+$0x0];
	v10 =	vsel vm2, v0, v6;
	s24 =	sadd.s32 $0x20, s24;
	v8 =	vsel vm0, v1, v8;
	v1 =	vmov v2;
	s26 =	sadd.s32 $0x20, s26  }
0x5b: {  	v11 =	vld [tilespmem:s24+$0x0];
	vm0 =	vlt.s32 v10, v5;
	vm2 =	veq.s32 v6, v5;
	v12 =	vsel vm1, v4, v8;
	p0 =	slt.u32 s26, $0x1FE0  }
.Ltmp1:
0x5c: {  	s25 =	sadd.s32 $0x20, s25;
	vm1 =	veq.s32 v0, v5;
	v2 =	vld [tilespmem:s24+$0xFFFFFFF0];
	v10 =	vsel vm0, v10, v5;
	vm0 =	veq.s32 v0, v6;
	[tilespmem:s23+$0xFFFFFFF0] =	vst v12;
	(pc) =	sbr.rel @p0 .LBB2_4-.Ltmp1, $4  }
0x5d: {  	vm3 =	vlt.s32 v3, v1;
	v4 =	vmovc v3;
	v5 =	vld [tilespmem:s25+$0x0];
	v6 =	vsel vm2, v6, v10;
	vm1 =	vmor vm0, vm1;
	v8 =	vmovc v7  }
0x5e: {  	s23 =	sadd.s32 $0x20, s23;
	v10 =	vsel vm3, v4, v1;
	v3 =	vld [tilespmem:s28+$0xFFFFFFF0];
	vm0 =	veq.s32 v1, v8;
	v12 =	vsel vm1, v0, v6  }
0x5f: {  	vm3 =	veq.s32 v4, v1;
	vm1 =	vlt.s32 v10, v8;
	vm4 =	veq.s32 v4, v8;
	v7 =	vld [tilespmem:s25+$0xFFFFFFF0];
	[tilespmem:s23+$0x0] =	vst v12  }
0x60: {  	s28 =	sadd.s32 $0x20, s28;
	v8 =	vsel vm1, v10, v8;
	vm1 =	vmor vm3, vm4;
	v0 =	vmovc v9;
	vm2 =	vlt.s32 v9, v11;
	v6 =	vmovc v11  }
0x61: {  	v9 =	vsel vm2, v0, v6;
	v1 =	vsel vm0, v1, v8  }
0x62: {  	vm9 =	veq.s32 v0, v6;
	vm7 =	vlt.s32 v9, v5;
	vm8 =	veq.s32 v6, v5  }
0x63: {  	v1 =	vsel vm1, v4, v1;
	vm3 =	veq.s32 v0, v5;
	vm10 =	vlt.s32 v3, v2  }
0x64: {  	v59 =	vsel vm7, v9, v5;
	vm0 =	vmor vm9, vm3;
	v60 =	vsel vm10, v3, v2  }
0x65: {  	vm13 =	veq.s32 v3, v2;
	v4 =	vsel vm8, v6, v59;
	vm12 =	vlt.s32 v60, v7  }
0x66: {  	vm11 =	veq.s32 v2, v7;
	vm14 =	veq.s32 v3, v7;
	v5 =	vsel vm12, v60, v7  }
0x67: {  	s31 =	sadd.s32 $0x20, s23;
	[tilespmem:s23+$0xFFFFFFF0] =	vst v1;
	v61 =	vsel vm0, v0, v4;
	vm15 =	vmor vm13, vm14;
	v62 =	vsel vm11, v2, v5  }
0x68: {  	[tilespmem:s31+$0x0] =	vst v61;
	v63 =	vsel vm15, v3, v62  }
0x69: {  	s22 =	sadd.s32 $0x1, s22;
	[tilespmem:s31+$0xFFFFFFF0] =	vst v63  }
0x6a: {  	[hbm4b:s10+s1] =	stream.linear.scatter [tilespmem:s20], [sflag:$0x3], $0x1000, $0x38;
	[tilespmem:$0x8000] =	vst v63  }
0x6b: {  	p0 =	sne.s32 s22, s11;
	_ =	swait.ge [sflag:s21], $0x1000  }
.Ltmp2:
0x6c: {  	[sflag:s21] =	ssyncset.done $0x0;
	(pc) =	sbr.rel @p0 .LBB2_1-.Ltmp2, $4  }
0x6d: {  	[sflag:s21] =	ssyncadd.s32 $0xFFFFF000  }
0x6e: {  	_ =	swait.ge [sflag:s21], $0x1000  }
0x6f: {  	[sflag:s21] =	ssyncset.done $0x0  }
0x70: {  	[sflag:s21] =	ssyncadd.s32 $0xFFFFF000  }
0x71: {  	_ =	sfence.sel $0x180000  }
0x72: {  	[bflag:$0x0] =	sbarrier.arrive $0xFFFF  }
0x73: {  	p0 =	sne.s32 s2, $0x0;
	_ =	strace $0x90000047  }
0x74: {  	s0 =	sadd.s32 @!p0 $0x100000, s0;
	[bflag:$0x2] =	sbarrier.arrive $0xFFFF  }
0x75: {  	[sflag:s0] =	ssyncadd.tile.s32 @!p0 $0x1;
	_ =	shalt  }
.Lfunc_end2:
_tile_overlayer_lowered:
.L_overlay_start_2:
0x76: {  	(tag) =	ssettag $0x2  }
0x77: {  	s0 =	rddreg [dreg:$0x0];
	s2 =	stileid.u32  }
0x78: {  	s1 =	rddreg [dreg:$0x1];
	p0 =	sne.s32 s2, $0x0  }
0x79: {  	s3 =	rddreg [dreg:$0x2];
	[bflag:$0x3] =	sbarrier.arrive $0xFFFF;
	s2 =	simm.s32 @!p0 $0x1C04  }
0x7a: {  	[timem:s3], [sflag:s2] =	dma.local @!p0 [hbm:s0], s1  }
0x7b: {  	s0 =	simm.s32 @!p0 $0x4  }
0x7c: {  	_ =	swait.ge @!p0 [sflag:s0], s1  }
0x7d: {  	s1 =	ssub.s32 @!p0 $0x0, s1;
	[sflag:s0] =	ssyncset.done @!p0 $0x0  }
0x7e: {  	[sflag:s0] =	ssyncadd.s32 @!p0 s1  }
0x7f: {  	[bflag:$0x3] =	sbarrier.arrive $0xFFFF  }
0x80: {  	_ =	shalt  }

</sc_bundles>
